<compile_context>
chip_gen: v7x
topology: tpu7x:2x2x1
jax: 0.10.2.dev20260603
libtpu: 0.0.44.dev20260713+nightly
codegen_flags: <defaults>
</compile_context>

<pallas_src>
import functools

import jax
import jax.numpy as jnp
from jax import lax
from jax.experimental import pallas as pl
from jax.experimental.pallas import tpu as pltpu
from jax.experimental.pallas import tpu_sc as plsc

N_NODES = 100000
BATCH = 8192
SRC_DIM = 128
DST_DIM = 128

_NC = 2
_NS = 16
_NW = _NC * _NS
_BPW = BATCH // _NW


def _make_sc_gather2():
    mesh = plsc.VectorSubcoreMesh(core_axis_name="c", subcore_axis_name="s")

    @functools.partial(
        pl.kernel,
        mesh=mesh,
        out_type=[
            jax.ShapeDtypeStruct((BATCH, SRC_DIM), jnp.float32),
            jax.ShapeDtypeStruct((BATCH, SRC_DIM), jnp.float32),
        ],
        scratch_types=[
            pltpu.VMEM((_BPW,), jnp.int32),
            pltpu.VMEM((_BPW,), jnp.int32),
            pltpu.VMEM((_BPW, SRC_DIM), jnp.float32),
            pltpu.VMEM((_BPW, SRC_DIM), jnp.float32),
            pltpu.SemaphoreType.DMA,
            pltpu.SemaphoreType.DMA,
            pltpu.SemaphoreType.DMA,
            pltpu.SemaphoreType.DMA,
            pltpu.SemaphoreType.DMA,
            pltpu.SemaphoreType.DMA,
        ],
    )
    def gather2(table_hbm, src_idx_hbm, dst_idx_hbm, src_out, dst_out,
                sidx_v, didx_v, srows_v, drows_v,
                sem_i1, sem_i2, sem_s, sem_d, sem_ws, sem_wd):
        wid = lax.axis_index("s") * _NC + lax.axis_index("c")
        base = wid * _BPW
        ci = pltpu.async_copy(src_idx_hbm.at[pl.ds(base, _BPW)], sidx_v, sem_i1)
        cj = pltpu.async_copy(dst_idx_hbm.at[pl.ds(base, _BPW)], didx_v, sem_i2)
        ci.wait()
        cp_s = pltpu.async_copy(table_hbm.at[sidx_v], srows_v, sem_s)
        cj.wait()
        cp_d = pltpu.async_copy(table_hbm.at[didx_v], drows_v, sem_d)
        cp_s.wait()
        ws = pltpu.async_copy(srows_v, src_out.at[pl.ds(base, _BPW)], sem_ws)
        cp_d.wait()
        wd = pltpu.async_copy(drows_v, dst_out.at[pl.ds(base, _BPW)], sem_wd)
        ws.wait()
        wd.wait()

    return gather2


_sc_gather2_cache = []


def _get_sc_gather2():
    if not _sc_gather2_cache:
        _sc_gather2_cache.append(_make_sc_gather2())
    return _sc_gather2_cache[0]

_BLK = 256
_QTR = BATCH // 4


def _tc_body(d0, d1, d2, d3, src_ref, dst_ref, w_ref, out_ref):
    agg = (jnp.dot(d0[...], src_ref[:_QTR, :],
                   preferred_element_type=jnp.float32)
           + jnp.dot(d1[...], src_ref[_QTR:2 * _QTR, :],
                     preferred_element_type=jnp.float32)
           + jnp.dot(d2[...], src_ref[2 * _QTR:3 * _QTR, :],
                     preferred_element_type=jnp.float32)
           + jnp.dot(d3[...], src_ref[3 * _QTR:, :],
                     preferred_element_type=jnp.float32))
    x = (jnp.dot(agg, w_ref[:SRC_DIM, :], preferred_element_type=jnp.float32)
         + jnp.dot(dst_ref[...], w_ref[SRC_DIM:, :],
                   preferred_element_type=jnp.float32))
    out_ref[...] = jnp.maximum(x, 0.0)


def kernel(dstsrc_features, dstsrc2src, dstsrc2dst, dif_mat, w):
    src_f, dst_f = _get_sc_gather2()(dstsrc_features, dstsrc2src, dstsrc2dst)
    out = pl.pallas_call(
        _tc_body,
        grid=(BATCH // _BLK,),
        in_specs=[
            pl.BlockSpec((_BLK, _QTR), lambda i: (i, 0)),
            pl.BlockSpec((_BLK, _QTR), lambda i: (i, 1)),
            pl.BlockSpec((_BLK, _QTR), lambda i: (i, 2)),
            pl.BlockSpec((_BLK, _QTR), lambda i: (i, 3)),
            pl.BlockSpec((BATCH, SRC_DIM), lambda i: (0, 0)),
            pl.BlockSpec((_BLK, SRC_DIM), lambda i: (i, 0)),
            pl.BlockSpec((2 * SRC_DIM, DST_DIM), lambda i: (0, 0)),
        ],
        out_specs=pl.BlockSpec((_BLK, DST_DIM), lambda i: (i, 0)),
        out_shape=jax.ShapeDtypeStruct((BATCH, DST_DIM), jnp.float32),
    )(dif_mat, dif_mat, dif_mat, dif_mat, src_f, dst_f, w)
    return out

# --- scband reference (transcript-rebuilt; emitter-appended) ---
"""Pipeline reference for scband-sage-mean-aggregator-16758962389080 (READ-ONLY COPY).

The authoritative reference and input builder live on the scoring server;
editing this copy changes nothing except your own understanding.
"""

import jax, jax.numpy as jnp
import numpy as np

N_NODES = 100000
BATCH = 8192
SRC_DIM = 128
DST_DIM = 128


def setup_inputs(seed: int = 0) -> dict:
    key = jax.random.key(seed)
    k1, k2, k3, k4, k5 = jax.random.split(key, 5)
    dstsrc_features = jax.random.normal(k1, (N_NODES, SRC_DIM), dtype=jnp.float32)
    dstsrc2src = jax.random.randint(k2, (BATCH,), 0, N_NODES, dtype=jnp.int32)
    dstsrc2dst = jax.random.randint(k3, (BATCH,), 0, N_NODES, dtype=jnp.int32)
    dif_mat = jax.random.normal(k4, (BATCH, BATCH), dtype=jnp.float32)
    # GlorotUniform for weight of shape (2*src_dim, dst_dim)
    fan_in, fan_out = 2 * SRC_DIM, DST_DIM
    limit = np.sqrt(6.0 / (fan_in + fan_out))
    w = jax.random.uniform(k5, (2 * SRC_DIM, DST_DIM), dtype=jnp.float32, minval=-limit, maxval=limit)
    return {
        "dstsrc_features": dstsrc_features,
        "dstsrc2src": dstsrc2src,
        "dstsrc2dst": dstsrc2dst,
        "dif_mat": dif_mat,
        "w": w,
    }


def reference(dstsrc_features, dstsrc2src, dstsrc2dst, dif_mat, w):
    dst_features = jnp.take(dstsrc_features, dstsrc2dst, axis=0)
    src_features = jnp.take(dstsrc_features, dstsrc2src, axis=0)
    aggregated_features = jnp.matmul(dif_mat, src_features)
    concatenated_features = jnp.concatenate([aggregated_features, dst_features], axis=1)
    x = jnp.matmul(concatenated_features, w)
    return jax.nn.relu(x)

if __name__ == "__main__":
    import jax
    _d = setup_inputs()
    print(jax.jit(kernel)(*tuple(_d.values())))

</pallas_src>

<mosaic_0001>
#map = affine_map<(d0, d1) -> (0, 0)>
#map1 = affine_map<(d0, d1) -> (0)>
module attributes {stable_mosaic.version = 14 : i64} {
  func.func @gather2(%arg0: i32, %arg1: i32, %arg2: memref<100000x128xf32, #tpu.memory_space<hbm>>, %arg3: memref<8192xi32, #tpu.memory_space<hbm>>, %arg4: memref<8192xi32, #tpu.memory_space<hbm>>, %arg5: memref<8192x128xf32, #tpu.memory_space<hbm>>, %arg6: memref<8192x128xf32, #tpu.memory_space<hbm>>, %arg7: memref<256xi32, #tpu.memory_space<vmem>>, %arg8: memref<256xi32, #tpu.memory_space<vmem>>, %arg9: memref<256x128xf32, #tpu.memory_space<vmem>>, %arg10: memref<256x128xf32, #tpu.memory_space<vmem>>, %arg11: memref<!tpu.dma_semaphore, #tpu.memory_space<semaphore_mem>>, %arg12: memref<!tpu.dma_semaphore, #tpu.memory_space<semaphore_mem>>, %arg13: memref<!tpu.dma_semaphore, #tpu.memory_space<semaphore_mem>>, %arg14: memref<!tpu.dma_semaphore, #tpu.memory_space<semaphore_mem>>, %arg15: memref<!tpu.dma_semaphore, #tpu.memory_space<semaphore_mem>>, %arg16: memref<!tpu.dma_semaphore, #tpu.memory_space<semaphore_mem>>) attributes {dimension_semantics = [#tpu.dimension_semantics<core_parallel>, #tpu.dimension_semantics<subcore_parallel>], iteration_bounds = array<i64: 2, 16>, scalar_prefetch = 0 : i64, scratch_operands = 10 : i64, tpu.core_type = #tpu.core_type<sc_vector_subcore>, window_params = [{transform_indices = #map}, {transform_indices = #map1}, {transform_indices = #map1}, {transform_indices = #map}, {transform_indices = #map}]} {
    %mul3A = arith.constant 2 : i32
    %mul3A_0 = arith.muli %arg1, %mul3A : i32
    %add3A = arith.addi %mul3A_0, %arg0 : i32
    %mul3A_1 = arith.constant 256 : i32
    %mul3A_2 = arith.muli %add3A, %mul3A_1 : i32
    %dma_start3A = tpu.memref_slice %arg3[%mul3A_2] : memref<8192xi32, #tpu.memory_space<hbm>> -> memref<256xi32, #tpu.memory_space<hbm>>
    %dma_start3A_3 = tpu.memref_slice %arg3[%mul3A_2] : memref<8192xi32, #tpu.memory_space<hbm>> -> memref<256xi32, #tpu.memory_space<hbm>>
    tpu.enqueue_dma source(%dma_start3A_3 : memref<256xi32, #tpu.memory_space<hbm>>) target(%arg7 : memref<256xi32, #tpu.memory_space<vmem>>) target_semaphore(%arg11 : memref<!tpu.dma_semaphore, #tpu.memory_space<semaphore_mem>>)
    %dma_start3A_4 = tpu.memref_slice %arg4[%mul3A_2] : memref<8192xi32, #tpu.memory_space<hbm>> -> memref<256xi32, #tpu.memory_space<hbm>>
    %dma_start3A_5 = tpu.memref_slice %arg4[%mul3A_2] : memref<8192xi32, #tpu.memory_space<hbm>> -> memref<256xi32, #tpu.memory_space<hbm>>
    tpu.enqueue_dma source(%dma_start3A_5 : memref<256xi32, #tpu.memory_space<hbm>>) target(%arg8 : memref<256xi32, #tpu.memory_space<vmem>>) target_semaphore(%arg12 : memref<!tpu.dma_semaphore, #tpu.memory_space<semaphore_mem>>)
    %dma_wait3A = tpu.memref_slice %arg3[%mul3A_2] : memref<8192xi32, #tpu.memory_space<hbm>> -> memref<256xi32, #tpu.memory_space<hbm>>
    %dma_wait3A_6 = tpu.memref_slice %arg3[%mul3A_2] : memref<8192xi32, #tpu.memory_space<hbm>> -> memref<256xi32, #tpu.memory_space<hbm>>
    tpu.wait_dma2 semaphore(%arg11 : memref<!tpu.dma_semaphore, #tpu.memory_space<semaphore_mem>>) src(%dma_wait3A_6 : memref<256xi32, #tpu.memory_space<hbm>>) dst(%arg7 : memref<256xi32, #tpu.memory_space<vmem>>)
    %dma_start3A_7 = arith.constant 0 : i32
    %dma_start3A_8 = arith.constant 0 : i32
    %dma_start3A_9 = tpu.memref_slice %arg2[%dma_start3A_7, %dma_start3A_8] : memref<100000x128xf32, #tpu.memory_space<hbm>> -> memref<100000x128xf32, #tpu.memory_space<hbm>>
    tpu.enqueue_indirect_dma source(%dma_start3A_9 : memref<100000x128xf32, #tpu.memory_space<hbm>>) target(%arg9 : memref<256x128xf32, #tpu.memory_space<vmem>>) offsets(%arg7 : memref<256xi32, #tpu.memory_space<vmem>>) semaphore(%arg13 : memref<!tpu.dma_semaphore, #tpu.memory_space<semaphore_mem>>)
    %dma_wait3A_10 = tpu.memref_slice %arg4[%mul3A_2] : memref<8192xi32, #tpu.memory_space<hbm>> -> memref<256xi32, #tpu.memory_space<hbm>>
    %dma_wait3A_11 = tpu.memref_slice %arg4[%mul3A_2] : memref<8192xi32, #tpu.memory_space<hbm>> -> memref<256xi32, #tpu.memory_space<hbm>>
    tpu.wait_dma2 semaphore(%arg12 : memref<!tpu.dma_semaphore, #tpu.memory_space<semaphore_mem>>) src(%dma_wait3A_11 : memref<256xi32, #tpu.memory_space<hbm>>) dst(%arg8 : memref<256xi32, #tpu.memory_space<vmem>>)
    %dma_start3A_12 = arith.constant 0 : i32
    %dma_start3A_13 = arith.constant 0 : i32
    %dma_start3A_14 = tpu.memref_slice %arg2[%dma_start3A_12, %dma_start3A_13] : memref<100000x128xf32, #tpu.memory_space<hbm>> -> memref<100000x128xf32, #tpu.memory_space<hbm>>
    tpu.enqueue_indirect_dma source(%dma_start3A_14 : memref<100000x128xf32, #tpu.memory_space<hbm>>) target(%arg10 : memref<256x128xf32, #tpu.memory_space<vmem>>) offsets(%arg8 : memref<256xi32, #tpu.memory_space<vmem>>) semaphore(%arg14 : memref<!tpu.dma_semaphore, #tpu.memory_space<semaphore_mem>>)
    %dma_wait3A_15 = arith.constant 0 : i32
    %dma_wait3A_16 = arith.constant 0 : i32
    %dma_wait3A_17 = tpu.memref_slice %arg2[%dma_wait3A_15, %dma_wait3A_16] : memref<100000x128xf32, #tpu.memory_space<hbm>> -> memref<100000x128xf32, #tpu.memory_space<hbm>>
    tpu.wait_indirect_dma semaphore(%arg13 : memref<!tpu.dma_semaphore, #tpu.memory_space<semaphore_mem>>) src(%dma_wait3A_17 : memref<100000x128xf32, #tpu.memory_space<hbm>>) dst(%arg9 : memref<256x128xf32, #tpu.memory_space<vmem>>)
    %dma_start3A_18 = arith.constant 0 : i32
    %dma_start3A_19 = tpu.memref_slice %arg5[%mul3A_2, %dma_start3A_18] : memref<8192x128xf32, #tpu.memory_space<hbm>> -> memref<256x128xf32, #tpu.memory_space<hbm>>
    %dma_start3A_20 = arith.constant 0 : i32
    %dma_start3A_21 = tpu.memref_slice %arg5[%mul3A_2, %dma_start3A_20] : memref<8192x128xf32, #tpu.memory_space<hbm>> -> memref<256x128xf32, #tpu.memory_space<hbm>>
    tpu.enqueue_dma source(%arg9 : memref<256x128xf32, #tpu.memory_space<vmem>>) target(%dma_start3A_21 : memref<256x128xf32, #tpu.memory_space<hbm>>) target_semaphore(%arg15 : memref<!tpu.dma_semaphore, #tpu.memory_space<semaphore_mem>>)
    %dma_wait3A_22 = arith.constant 0 : i32
    %dma_wait3A_23 = arith.constant 0 : i32
    %dma_wait3A_24 = tpu.memref_slice %arg2[%dma_wait3A_22, %dma_wait3A_23] : memref<100000x128xf32, #tpu.memory_space<hbm>> -> memref<100000x128xf32, #tpu.memory_space<hbm>>
    tpu.wait_indirect_dma semaphore(%arg14 : memref<!tpu.dma_semaphore, #tpu.memory_space<semaphore_mem>>) src(%dma_wait3A_24 : memref<100000x128xf32, #tpu.memory_space<hbm>>) dst(%arg10 : memref<256x128xf32, #tpu.memory_space<vmem>>)
    %dma_start3A_25 = arith.constant 0 : i32
    %dma_start3A_26 = tpu.memref_slice %arg6[%mul3A_2, %dma_start3A_25] : memref<8192x128xf32, #tpu.memory_space<hbm>> -> memref<256x128xf32, #tpu.memory_space<hbm>>
    %dma_start3A_27 = arith.constant 0 : i32
    %dma_start3A_28 = tpu.memref_slice %arg6[%mul3A_2, %dma_start3A_27] : memref<8192x128xf32, #tpu.memory_space<hbm>> -> memref<256x128xf32, #tpu.memory_space<hbm>>
    tpu.enqueue_dma source(%arg10 : memref<256x128xf32, #tpu.memory_space<vmem>>) target(%dma_start3A_28 : memref<256x128xf32, #tpu.memory_space<hbm>>) target_semaphore(%arg16 : memref<!tpu.dma_semaphore, #tpu.memory_space<semaphore_mem>>)
    %dma_wait3A_29 = arith.constant 0 : i32
    %dma_wait3A_30 = tpu.memref_slice %arg5[%mul3A_2, %dma_wait3A_29] : memref<8192x128xf32, #tpu.memory_space<hbm>> -> memref<256x128xf32, #tpu.memory_space<hbm>>
    %dma_wait3A_31 = arith.constant 0 : i32
    %dma_wait3A_32 = tpu.memref_slice %arg5[%mul3A_2, %dma_wait3A_31] : memref<8192x128xf32, #tpu.memory_space<hbm>> -> memref<256x128xf32, #tpu.memory_space<hbm>>
    tpu.wait_dma2 semaphore(%arg15 : memref<!tpu.dma_semaphore, #tpu.memory_space<semaphore_mem>>) src(%arg9 : memref<256x128xf32, #tpu.memory_space<vmem>>) dst(%dma_wait3A_32 : memref<256x128xf32, #tpu.memory_space<hbm>>)
    %dma_wait3A_33 = arith.constant 0 : i32
    %dma_wait3A_34 = tpu.memref_slice %arg6[%mul3A_2, %dma_wait3A_33] : memref<8192x128xf32, #tpu.memory_space<hbm>> -> memref<256x128xf32, #tpu.memory_space<hbm>>
    %dma_wait3A_35 = arith.constant 0 : i32
    %dma_wait3A_36 = tpu.memref_slice %arg6[%mul3A_2, %dma_wait3A_35] : memref<8192x128xf32, #tpu.memory_space<hbm>> -> memref<256x128xf32, #tpu.memory_space<hbm>>
    tpu.wait_dma2 semaphore(%arg16 : memref<!tpu.dma_semaphore, #tpu.memory_space<semaphore_mem>>) src(%arg10 : memref<256x128xf32, #tpu.memory_space<vmem>>) dst(%dma_wait3A_36 : memref<256x128xf32, #tpu.memory_space<hbm>>)
    return
  }
}

module attributes {stable_mosaic.version = 14 : i64} {
  func.func @_tc_body(%arg0: i32, %arg1: memref<256x2048xf32, #tpu.memory_space<vmem>>, %arg2: memref<256x2048xf32, #tpu.memory_space<vmem>>, %arg3: memref<256x2048xf32, #tpu.memory_space<vmem>>, %arg4: memref<256x2048xf32, #tpu.memory_space<vmem>>, %arg5: memref<8192x128xf32, #tpu.memory_space<vmem>>, %arg6: memref<256x128xf32, #tpu.memory_space<vmem>>, %arg7: memref<256x128xf32, #tpu.memory_space<vmem>>, %arg8: memref<256x128xf32, #tpu.memory_space<vmem>>) attributes {dimension_semantics = [#tpu.dimension_semantics<arbitrary>], iteration_bounds = array<i64: 32>, scalar_prefetch = 0 : i64, scratch_operands = 0 : i64, tpu.core_type = #tpu.core_type<tc>, window_params = [{transform_indices = @transform_0, window_bounds = array<i64: 256, 2048>}, {transform_indices = @transform_1, window_bounds = array<i64: 256, 2048>}, {transform_indices = @transform_2, window_bounds = array<i64: 256, 2048>}, {transform_indices = @transform_3, window_bounds = array<i64: 256, 2048>}, {pipeline_mode = #tpu.pipeline_mode<synchronous>, transform_indices = @transform_4, window_bounds = array<i64: 8192, 128>}, {transform_indices = @transform_5, window_bounds = array<i64: 256, 128>}, {pipeline_mode = #tpu.pipeline_mode<synchronous>, transform_indices = @transform_6, window_bounds = array<i64: 256, 128>}, {transform_indices = @transform_7, window_bounds = array<i64: 256, 128>}]} {
    %get3A = arith.constant 0 : index
    %get3A_0 = arith.constant 0 : index
    %get3A_1 = vector.load %arg1[%get3A, %get3A_0] : memref<256x2048xf32, #tpu.memory_space<vmem>>, vector<256x2048xf32>
    %get3A_2 = arith.constant 0 : index
    %get3A_3 = arith.constant 0 : index
    %get3A_4 = vector.load %arg5[%get3A_2, %get3A_3] : memref<8192x128xf32, #tpu.memory_space<vmem>>, vector<2048x128xf32>
    %dot_general3A = arith.constant dense<0.000000e+00> : vector<256x128xf32>
    %dot_general3A_5 = tpu.matmul %get3A_1, %get3A_4, %dot_general3A {dimension_numbers = #tpu.dot_dimension_numbers<[1], [0], [0], [1], [0, 0, 1, 1], [], []>, transpose_lhs_hint = false} : vector<256x2048xf32>, vector<2048x128xf32>, vector<256x128xf32> -> vector<256x128xf32>
    %get3A_6 = arith.constant 0 : index
    %get3A_7 = arith.constant 0 : index
    %get3A_8 = vector.load %arg2[%get3A_6, %get3A_7] : memref<256x2048xf32, #tpu.memory_space<vmem>>, vector<256x2048xf32>
    %get3A_9 = arith.constant 2048 : index
    %get3A_10 = arith.constant 0 : index
    %get3A_11 = vector.load %arg5[%get3A_9, %get3A_10] : memref<8192x128xf32, #tpu.memory_space<vmem>>, vector<2048x128xf32>
    %dot_general3A_12 = arith.constant dense<0.000000e+00> : vector<256x128xf32>
    %dot_general3A_13 = tpu.matmul %get3A_8, %get3A_11, %dot_general3A_12 {dimension_numbers = #tpu.dot_dimension_numbers<[1], [0], [0], [1], [0, 0, 1, 1], [], []>, transpose_lhs_hint = false} : vector<256x2048xf32>, vector<2048x128xf32>, vector<256x128xf32> -> vector<256x128xf32>
    %add3A = arith.addf %dot_general3A_5, %dot_general3A_13 : vector<256x128xf32>
    %get3A_14 = arith.constant 0 : index
    %get3A_15 = arith.constant 0 : index
    %get3A_16 = vector.load %arg3[%get3A_14, %get3A_15] : memref<256x2048xf32, #tpu.memory_space<vmem>>, vector<256x2048xf32>
    %get3A_17 = arith.constant 4096 : index
    %get3A_18 = arith.constant 0 : index
    %get3A_19 = vector.load %arg5[%get3A_17, %get3A_18] : memref<8192x128xf32, #tpu.memory_space<vmem>>, vector<2048x128xf32>
    %dot_general3A_20 = arith.constant dense<0.000000e+00> : vector<256x128xf32>
    %dot_general3A_21 = tpu.matmul %get3A_16, %get3A_19, %dot_general3A_20 {dimension_numbers = #tpu.dot_dimension_numbers<[1], [0], [0], [1], [0, 0, 1, 1], [], []>, transpose_lhs_hint = false} : vector<256x2048xf32>, vector<2048x128xf32>, vector<256x128xf32> -> vector<256x128xf32>
    %add3A_22 = arith.addf %add3A, %dot_general3A_21 : vector<256x128xf32>
    %get3A_23 = arith.constant 0 : index
    %get3A_24 = arith.constant 0 : index
    %get3A_25 = vector.load %arg4[%get3A_23, %get3A_24] : memref<256x2048xf32, #tpu.memory_space<vmem>>, vector<256x2048xf32>
    %get3A_26 = arith.constant 6144 : index
    %get3A_27 = arith.constant 0 : index
    %get3A_28 = vector.load %arg5[%get3A_26, %get3A_27] : memref<8192x128xf32, #tpu.memory_space<vmem>>, vector<2048x128xf32>
    %dot_general3A_29 = arith.constant dense<0.000000e+00> : vector<256x128xf32>
    %dot_general3A_30 = tpu.matmul %get3A_25, %get3A_28, %dot_general3A_29 {dimension_numbers = #tpu.dot_dimension_numbers<[1], [0], [0], [1], [0, 0, 1, 1], [], []>, transpose_lhs_hint = false} : vector<256x2048xf32>, vector<2048x128xf32>, vector<256x128xf32> -> vector<256x128xf32>
    %add3A_31 = arith.addf %add3A_22, %dot_general3A_30 : vector<256x128xf32>
    %get3A_32 = arith.constant 0 : index
    %get3A_33 = arith.constant 0 : index
    %get3A_34 = vector.load %arg7[%get3A_32, %get3A_33] : memref<256x128xf32, #tpu.memory_space<vmem>>, vector<128x128xf32>
    %dot_general3A_35 = arith.constant dense<0.000000e+00> : vector<256x128xf32>
    %dot_general3A_36 = tpu.matmul %add3A_31, %get3A_34, %dot_general3A_35 {dimension_numbers = #tpu.dot_dimension_numbers<[1], [0], [0], [1], [0, 0, 1, 1], [], []>, transpose_lhs_hint = false} : vector<256x128xf32>, vector<128x128xf32>, vector<256x128xf32> -> vector<256x128xf32>
    %get3A_37 = arith.constant 0 : index
    %get3A_38 = arith.constant 0 : index
    %get3A_39 = vector.load %arg6[%get3A_37, %get3A_38] : memref<256x128xf32, #tpu.memory_space<vmem>>, vector<256x128xf32>
    %get3A_40 = arith.constant 128 : index
    %get3A_41 = arith.constant 0 : index
    %get3A_42 = vector.load %arg7[%get3A_40, %get3A_41] : memref<256x128xf32, #tpu.memory_space<vmem>>, vector<128x128xf32>
    %dot_general3A_43 = arith.constant dense<0.000000e+00> : vector<256x128xf32>
    %dot_general3A_44 = tpu.matmul %get3A_39, %get3A_42, %dot_general3A_43 {dimension_numbers = #tpu.dot_dimension_numbers<[1], [0], [0], [1], [0, 0, 1, 1], [], []>, transpose_lhs_hint = false} : vector<256x128xf32>, vector<128x128xf32>, vector<256x128xf32> -> vector<256x128xf32>
    %add3A_45 = arith.addf %dot_general3A_36, %dot_general3A_44 : vector<256x128xf32>
    %max3A = arith.constant 0.000000e+00 : f32
    %max3A_46 = vector.broadcast %max3A : f32 to vector<256x128xf32>
    %max3A_47 = arith.maximumf %add3A_45, %max3A_46 : vector<256x128xf32>
    %swap3A = arith.constant 0 : index
    %swap3A_48 = arith.constant 0 : index
    %swap3A_49 = vector.load %arg8[%swap3A, %swap3A_48] : memref<256x128xf32, #tpu.memory_space<vmem>>, vector<256x128xf32>
    tpu.vector_store %arg8[%swap3A, %swap3A_48], %max3A_47 {strides = array<i32>} : memref<256x128xf32, #tpu.memory_space<vmem>>, vector<256x128xf32>,
    return
  }
  func.func @transform_0(%arg0: i32) -> (i32, i32) {
    %c0_i32 = arith.constant 0 : i32
    %c0_i32_0 = arith.constant 0 : i32
    return %arg0, %c0_i32 : i32, i32
  }
  func.func @transform_1(%arg0: i32) -> (i32, i32) {
    %c1_i32 = arith.constant 1 : i32
    %c0_i32 = arith.constant 0 : i32
    return %arg0, %c1_i32 : i32, i32
  }
  func.func @transform_2(%arg0: i32) -> (i32, i32) {
    %c2_i32 = arith.constant 2 : i32
    %c0_i32 = arith.constant 0 : i32
    return %arg0, %c2_i32 : i32, i32
  }
  func.func @transform_3(%arg0: i32) -> (i32, i32) {
    %c3_i32 = arith.constant 3 : i32
    %c0_i32 = arith.constant 0 : i32
    return %arg0, %c3_i32 : i32, i32
  }
  func.func @transform_4(%arg0: i32) -> (i32, i32) {
    %c0_i32 = arith.constant 0 : i32
    %c0_i32_0 = arith.constant 0 : i32
    %c0_i32_1 = arith.constant 0 : i32
    return %c0_i32, %c0_i32_0 : i32, i32
  }
  func.func @transform_5(%arg0: i32) -> (i32, i32) {
    %c0_i32 = arith.constant 0 : i32
    %c0_i32_0 = arith.constant 0 : i32
    return %arg0, %c0_i32 : i32, i32
  }
  func.func @transform_6(%arg0: i32) -> (i32, i32) {
    %c0_i32 = arith.constant 0 : i32
    %c0_i32_0 = arith.constant 0 : i32
    %c0_i32_1 = arith.constant 0 : i32
    return %c0_i32, %c0_i32_0 : i32, i32
  }
  func.func @transform_7(%arg0: i32) -> (i32, i32) {
    %c0_i32 = arith.constant 0 : i32
    %c0_i32_0 = arith.constant 0 : i32
    return %arg0, %c0_i32 : i32, i32
  }
}

</mosaic_0001>

<sc_bundles>
// kernel: kernel.4.cloned.1.call-start
scs
__scs_entry_jumppad:
0x0: {  	(pc) =	sbr.rel $0x88, $3  }
0x1: {  	(tag) =	ssettag $0x0;
	lr =	simm.s32 $0x1  }
0x2: {  	[smem:$0x3F9C] =	sst lr;
	_ =	strace $0xD0000000  }
0x3: {  	_ = 	snop  }
0x4: {  	_ = 	snop  }
0x5: {  	_ = 	snop  }
0x6: {  	_ = 	snop  }
0x7: {  	_ = 	snop  }
__scs_overlays_trampoline_lowered:
0x8: {  	[smem:$0x3FAB] =	sst s0  }
0x9: {  	[smem:$0x3FAC] =	sst s1  }
0xa: {  	[smem:$0x3FAD] =	sst s2  }
0xb: {  	[smem:$0x3FAE] =	sst s3  }
0xc: {  	[smem:$0x3FAF] =	sst s4  }
0xd: {  	[smem:$0x3FB0] =	sst s5  }
0xe: {  	[smem:$0x3FB1] =	sst s6  }
0xf: {  	[smem:$0x3FB2] =	sst s7  }
0x10: {  	[smem:$0x3FB3] =	sst s8  }
0x11: {  	[smem:$0x3FB4] =	sst s9;
	s0 =	simm.s32 @!p0 $0x0  }
0x12: {  	s1 =	sld [smem:$0x3F9A];
	s0 =	simm.s32 @p0 $0x1  }
0x13: {  	[smem:$0x3FB5] =	sst s0;
	s0 =	simm.s32 @!p1 $0x0  }
0x14: {  	s2 =	sld [smem:$0x3F99];
	s0 =	simm.s32 @p1 $0x1  }
0x15: {  	[smem:$0x3FB6] =	sst s0;
	s0 =	simm.s32 @!p2 $0x0  }
0x16: {  	s3 =	sld [smem:$0x3FDB];
	s0 =	simm.s32 @p2 $0x1  }
0x17: {  	s4 =	simm.s32 $0x1BF5;
	[smem:$0x3FB8] =	sst s0  }
0x18: {  	s0 =	sld [smem:$0x3F9B];
	_ =	swait.ge [sflag:s4], $0x0  }
0x19: {  	s7 =	sld [smem:$0x3F9C]  }
0x1a: {  	s8 =	sadd.s32 $0xFFFFE003, lr  }
0x1b: {  	s9 =	sadd.s32 $0xFFFFFEF7, lr;
	s5 =	simm.s32 $0xFFFFFFFF;
	p2 =	slt.u32 s8, $0xFFFFF086  }
0x1c: {  	p1 =	slt.u32 s9, $0xF7A;
	s5 =	simm.s32 @!p2 $0x0  }
0x1d: {  	s5 =	simm.s32 @p1 $0x1;
	p0 =	seq.s32 s7, s2  }
0x1e: {  	s7 =	smul.u32 @!p0 $0xF7A, s2;
	p2 =	seq.s32 @!p0 s5, $0x0  }
0x1f: {  	s9 =	smul.u32 $0xF7A, s1;
	s8 =	simm.s32 @!p0 $0x1BF5;
	p2 =	por !p2, p0  }
0x20: {  	[sflag:s8] =	ssyncset.s32 @!p0 $0xFFFFF086;
	s6 =	sadd.s32 @!p0 s3, s7;
	s7 =	simm.s32 @!p0 $0x108  }
0x21: {  	s3 =	sadd.s32 s3, s9;
	s6 =	sadd.s32 @!p0 $0x88, s6;
	s7 =	simm.s32 @p2 $0x1082  }
0x22: {  	[simem:s7], [sflag:s8] =	dma.local @!p0 [hbm:s6], $0xF7A  }
0x23: {  	s9 =	sor.u32 $0xD0000000, s2;
	s6 =	simm.s32 $0x108;
	_ =	swait.ge @!p0 [sflag:s8], $0x0  }
0x24: {  	s3 =	sadd.s32 $0x88, s3;
	s6 =	simm.s32 @!p1 $0x1082;
	[sflag:s4] =	ssyncset.s32 $0xFFFFF086  }
0x25: {  	[simem:s6], [sflag:s4] =	dma.local [hbm:s3], $0xF7A  }
0x26: {  	[smem:$0x3F9C] =	sst s1;
	(tag) =	ssettag s2;
	_ =	strace s9  }
0x27: {  	s1 =	sld [smem:$0x3FAC]  }
0x28: {  	s2 =	sld [smem:$0x3FAD]  }
0x29: {  	s4 =	sld [smem:$0x3FAF]  }
0x2a: {  	p0 =	seq.s32 s5, $0x0;
	s5 =	sld [smem:$0x3FB0]  }
0x2b: {  	s6 =	sld [smem:$0x3FB1]  }
0x2c: {  	s7 =	sld [smem:$0x3FB2]  }
0x2d: {  	s3 =	simm.s32 $0x108;
	s8 =	sld [smem:$0x3FB3]  }
0x2e: {  	s3 =	simm.s32 @!p0 $0x1082;
	s9 =	sld [smem:$0x3FB4]  }
0x2f: {  	lr =	sadd.s32 s0, s3;
	s0 =	sld [smem:$0x3FAB]  }
0x30: {  	s3 =	sld [smem:$0x3FAE]  }
0x31: {  	[smem:$0x3FB7] =	sst s10  }
0x32: {  	s10 =	sld [smem:$0x3FB5];
	_ =	sdelay $0x3  }
0x33: {  	p0 =	seq.s32 s10, $0x1;
	s10 =	sld [smem:$0x3FB7];
	_ =	sdelay $0x3  }
0x34: {  	[smem:$0x3FB7] =	sst s10  }
0x35: {  	s10 =	sld [smem:$0x3FB6];
	_ =	sdelay $0x3  }
0x36: {  	p1 =	seq.s32 s10, $0x1;
	s10 =	sld [smem:$0x3FB7];
	_ =	sdelay $0x3  }
0x37: {  	[smem:$0x3FB7] =	sst s10  }
0x38: {  	s10 =	sld [smem:$0x3FB8]  }
0x39: {  	_ = 	snop;
	(pc) =	sbr.ind lr, $3  }
0x3a: {  	_ = 	snop  }
0x3b: {  	_ = 	snop  }
0x3c: {  	p2 =	seq.s32 s10, $0x1;
	s10 =	sld [smem:$0x3FB7]  }
0x3d: {  	_ =	shalt  }
0x3e: {  	_ =	shalt  }
0x3f: {  	_ =	shalt  }
0x40: {  	_ =	shalt  }
0x41: {  	_ =	shalt  }
0x42: {  	_ =	shalt  }
0x43: {  	_ =	shalt  }
0x44: {  	_ =	shalt  }
0x45: {  	_ =	shalt  }
0x46: {  	_ =	shalt  }
0x47: {  	_ =	shalt  }
0x48: {  	_ =	shalt  }
0x49: {  	_ =	shalt  }
0x4a: {  	_ =	shalt  }
0x4b: {  	_ =	shalt  }
0x4c: {  	_ =	shalt  }
0x4d: {  	_ =	shalt  }
0x4e: {  	_ =	shalt  }
0x4f: {  	_ =	shalt  }
0x50: {  	_ =	shalt  }
0x51: {  	_ =	shalt  }
0x52: {  	_ =	shalt  }
0x53: {  	_ =	shalt  }
0x54: {  	_ =	shalt  }
0x55: {  	_ =	shalt  }
0x56: {  	_ =	shalt  }
0x57: {  	_ =	shalt  }
0x58: {  	_ =	shalt  }
0x59: {  	_ =	shalt  }
0x5a: {  	_ =	shalt  }
0x5b: {  	_ =	shalt  }
0x5c: {  	_ =	shalt  }
0x5d: {  	_ =	shalt  }
0x5e: {  	_ =	shalt  }
0x5f: {  	_ =	shalt  }
0x60: {  	_ =	shalt  }
0x61: {  	_ =	shalt  }
0x62: {  	_ =	shalt  }
0x63: {  	_ =	shalt  }
0x64: {  	_ =	shalt  }
0x65: {  	_ =	shalt  }
0x66: {  	_ =	shalt  }
0x67: {  	_ =	shalt  }
0x68: {  	_ =	shalt  }
0x69: {  	_ =	shalt  }
0x6a: {  	_ =	shalt  }
0x6b: {  	_ =	shalt  }
0x6c: {  	_ =	shalt  }
0x6d: {  	_ =	shalt  }
0x6e: {  	_ =	shalt  }
0x6f: {  	_ =	shalt  }
0x70: {  	_ =	shalt  }
0x71: {  	_ =	shalt  }
0x72: {  	_ =	shalt  }
0x73: {  	_ =	shalt  }
0x74: {  	_ =	shalt  }
0x75: {  	_ =	shalt  }
0x76: {  	_ =	shalt  }
0x77: {  	_ =	shalt  }
0x78: {  	_ =	shalt  }
0x79: {  	_ =	shalt  }
0x7a: {  	_ =	shalt  }
0x7b: {  	_ =	shalt  }
0x7c: {  	_ =	shalt  }
0x7d: {  	_ =	shalt  }
0x7e: {  	_ =	shalt  }
0x7f: {  	_ =	shalt  }
0x80: {  	_ =	shalt  }
0x81: {  	_ =	shalt  }
0x82: {  	_ =	shalt  }
0x83: {  	_ =	shalt  }
0x84: {  	_ =	shalt  }
0x85: {  	_ =	shalt  }
0x86: {  	_ =	shalt  }
0x87: {  	_ =	shalt  }
.Lfunc_end0:
.L_simem_size_0:
called_computation_lowered:
.L_overlay_start_0:
0x88: {  	s2 =	sld [smem:$0x3FD9]  }
0x89: {  	s3 =	sld [smem:$0x3FFE];
	_ =	sdelay $0x1  }
0x8a: {  	s1 =	srdreg.scid  }
0x8b: {  	s0 =	sand.u32 $0x1, s1  }
0x8c: {  	s17 =	sshll.u32 s0, $0xA;
	s2 =	sadd.s32 s3, s2  }
0x8d: {  	s2 =	sadd.s32 s2, s17  }
0x8e: {  	[smem:$0x3FC3] =	sst s2  }
0x8f: {  	_ = 	snop  }
0x90: {  	s2 =	sld [smem:$0x3FC9]  }
0x91: {  	s18 =	sld [smem:$0x3FC8]  }
0x92: {  	s4 =	sld [smem:$0x3FC7]  }
0x93: {  	s5 =	sld [smem:$0x3FD0];
	(tm) =	ssettm $0x1  }
0x94: {  	s6 =	sld [smem:$0x3FFB];
	_ =	sdelay $0x3  }
0x95: {  	_ =	strace s6  }
0x96: {  	s6 =	sld [smem:$0x3FFC];
	_ =	sdelay $0x3  }
0x97: {  	_ =	strace s6  }
0x98: {  	s6 =	sld [smem:$0x3FFD];
	_ =	sdelay $0x3  }
0x99: {  	_ =	strace s6  }
0x9a: {  	_ =	strace $0x8FFFFFFF  }
0x9b: {  	s19 =	sld [smem:$0x3FDB];
	_ =	sdelay $0x1  }
0x9c: {  	s7 =	simm.s32 $_scs_section_size  }
0x9d: {  	s8 =	simm.s32 $_size__tile_overlayer_lowered;
	s9 =	simm.s32 $_tile_overlayer_lowered  }
0x9e: {  	s22 =	simm.s32 $0x1BFF;
	s21 =	sshll.u32 s9, $0x1;
	s6 =	sadd.s32 s7, s19  }
0x9f: {  	s10 =	simm.s32 $0x0;
	s20 =	sshll.u32 s8, $0x1;
	s8 =	sadd.s32 s21, s6  }
0xa0: {  	[timem:s10], [sflag:s22] =	dma.local [hbm:s8], s20  }
0xa1: {  	_ =	swait.ge [sflag:s22], s20  }
0xa2: {  	s7 =	ssub.s32 $0x0, s20;
	[sflag:s22] =	ssyncset.done $0x0  }
0xa3: {  	[sflag:s22] =	ssyncadd.s32 s7;
	_ =	sdelay $0x1  }
0xa4: {  	s23 =	simm.s32 $0x1B8B  }
0xa5: {  	_ =	swait.ge [sflag:s23], $0x1  }
0xa6: {  	[sflag:s23] =	ssyncset.done $0x0  }
0xa7: {  	s25 =	simm.s32 $0x1B8E;
	s24 =	sld [smem:$0x3FFE];
	[sflag:s23] =	ssyncadd.s32 $0xFFFFFFFF  }
0xa8: {  	s26 =	simm.s32 $execute0_lowered;
	[smem:$0x3FD2] =	sst s25  }
0xa9: {  	s8 =	sshll.u32 s26, $0x1;
	_ =	strace $0x80000046;
	[dreg:$0x1] =	wrdreg $0xFFFFFFFF  }
0xaa: {  	s28 =	simm.s32 $_size_execute0_lowered;
	s6 =	sadd.s32 s6, s8;
	[dreg:$0x0] =	wrdreg $0x0  }
0xab: {  	s8 =	sshll.u32 s28, $0x1;
	[dreg:$0x2] =	wrdreg s6  }
0xac: {  	[dreg:$0x3] =	wrdreg s8  }
0xad: {  	[dreg:$0x4] =	wrdreg $0xC0  }
0xae: {  	_ =	task [dreg:s10], $0x5FFFF  }
0xaf: {  	[dreg:$0x1] =	wrdreg $0xFFFFFFFF  }
0xb0: {  	[dreg:$0x0] =	wrdreg $0x60  }
0xb1: {  	[dreg:$0x2] =	wrdreg s2  }
0xb2: {  	[dreg:$0x3] =	wrdreg s18  }
0xb3: {  	[dreg:$0x4] =	wrdreg s4  }
0xb4: {  	[dreg:$0x5] =	wrdreg s5  }
0xb5: {  	[dreg:$0x6] =	wrdreg s24  }
0xb6: {  	[dreg:$0x7] =	wrdreg $0x9  }
0xb7: {  	_ =	task.clear_ibuf [dreg:s10], $0x8FFFF;
	_ =	strace $0x90000046  }
0xb8: {  	s29 =	simm.s32 $0x9;
	_ =	strace $0x80000048  }
0xb9: {  	_ =	swait.ge [sflag:s29], $0x1  }
0xba: {  	[sflag:s29] =	ssyncadd.s32 $0xFFFFFFFF  }
0xbb: {  	_ =	strace $0x90000048  }
0xbc: {  	_ =	sfence  }
0xbd: {  	s30 =	sld [smem:$0x0];
	_ =	sdelay $0x2  }
0xbe: {  	s31 =	sshll.u32 s1, $0xD;
	s1 =	sshrl.u32 s1, $0x2  }
0xbf: {  	s3 =	sand.u32 $0x4000, s31;
	s1 =	sadd.s32 s1, s30  }
0xc0: {  	s0 =	sor.u32 s3, s0;
	s1 =	sshll.u32 s1, $0x11  }
0xc1: {  	s0 =	sor.u32 s1, s0  }
0xc2: {  	s0 =	sadd.s32 $0x8F2B, s0  }
0xc3: {  	[sflag:s0] =	ssyncadd.remote.s32 $0x1  }
0xc4: {  	_ =	sfence.sel $0xFFFF  }
0xc5: {  	[dreg:$0x0] =	wrdreg $0xFFFFFFFF;
	(pc) =	sbr.abs _section_cstart, $3  }
0xc6: {  	[dreg:$0x1] =	wrdreg $0xFFFFFFFF  }
0xc7: {  	_ =	task.clear_ibuf [dreg:s10], $0x2FFFF;
	_ =	strace $0x9FFFFFFF  }
0xc8: {  	(tm) =	ssettm $0x7FFFFFFF  }
0xc9: {  	_ =	shalt  }
tec
execute0_lowered:
.L_overlay_start_1:
0x0: {  	(tag) =	ssettag $0x1  }
0x1: {  	s1 =	rddreg [dreg:$0x0]  }
0x2: {  	s4 =	rddreg [dreg:$0x1];
	s2 =	srdreg.scid  }
0x3: {  	s5 =	rddreg [dreg:$0x2];
	s0 =	stileid.u32;
	s14 =	sand.u32 $0x1, s2  }
0x4: {  	s12 =	rddreg [dreg:$0x3];
	s6 =	sshll.u32 s0, $0x9;
	s7 =	sshll.u32 s14, $0x8  }
0x5: {  	s15 =	rddreg [dreg:$0x4];
	s3 =	simm.s32 $0x0;
	s13 =	sor.u32 s7, s6  }
0x6: {  	[smem:$0x7FF] =	sst s3;
	s6 =	sshrl.u32 s13, $0x3  }
0x7: {  	s2 =	rddreg [dreg:$0x5];
	_ =	strace $0x80000047;
	s4 =	sadd.s32 s4, s6  }
0x8: {  	[tilespmem:s3], [sflag:$0x1] =	stream.linear.gather [hbm4b:s4+s3], $0x100, $0x38;
	[tilespmem:$0x10200] =	vst v63  }
0x9: {  	s7 =	simm.s32 $0x1;
	s5 =	sadd.s32 s5, s6;
	s6 =	simm.s32 $0x100  }
0xa: {  	[tilespmem:s6], [sflag:$0x2] =	stream.linear.gather [hbm4b:s5+s3], $0x100, $0x38;
	[tilespmem:$0x10200] =	vst v63  }
0xb: {  	_ =	swait.ge [sflag:s7], $0x100  }
0xc: {  	[sflag:s7] =	ssyncset.done $0x0  }
0xd: {  	s8 =	simm.s32 $0x200;
	s9 =	simm.s32 $0x2;
	[sflag:s7] =	ssyncadd.s32 $0xFFFFFF00  }
0xe: {  	[tilespmem:s8], [sflag:$0x3] =	stream.indirect.gather [hbm4b:s1+s6], $0x80, s3, s6, $0xb8;
	[tilespmem:$0x10200] =	vst v63  }
0xf: {  	_ =	swait.ge [sflag:s9], $0x100  }
0x10: {  	[sflag:s9] =	ssyncset.done $0x0  }
0x11: {  	s10 =	simm.s32 $0x8200;
	s11 =	simm.s32 $0x3;
	[sflag:s9] =	ssyncadd.s32 $0xFFFFFF00  }
0x12: {  	[tilespmem:s10], [sflag:$0x4] =	stream.indirect.gather [hbm4b:s1+s6], $0x80, s6, s6, $0xb8;
	[tilespmem:$0x10200] =	vst v63  }
0x13: {  	s31 =	ssub.s32 $0x2, s14;
	_ =	swait.ge [sflag:s11], $0x8000  }
0x14: {  	s17 =	sshrl.u32 s31, $0x1;
	s16 =	sshll.u32 s13, $0x4;
	[sflag:s11] =	ssyncset.done $0x0  }
0x15: {  	s13 =	simm.s32 $0x4;
	s12 =	sadd.s32 s12, s16;
	[sflag:s11] =	ssyncadd.s32 $0xFFFF8000  }
0x16: {  	[hbm4b:s12+s3] =	stream.linear.scatter [tilespmem:s8], [sflag:$0x5], $0x8000, $0x38;
	[tilespmem:$0x10200] =	vst v63  }
0x17: {  	s15 =	sadd.s32 s16, s15;
	s16 =	ssub.s32 s31, s17;
	_ =	swait.ge [sflag:s13], $0x8000  }
0x18: {  	s14 =	sadd.s32 $0xE00, s15;
	s17 =	smax.u32 s16, $0x1;
	[sflag:s13] =	ssyncset.done $0x0  }
0x19: {  	s15 =	simm.s32 $0x5;
	p0 =	sne.s32 s17, $0x1;
	[sflag:s13] =	ssyncadd.s32 $0xFFFF8000  }
0x1a: {  	[hbm4b:s14+s3] =	stream.linear.scatter [tilespmem:s10], [sflag:$0x6], $0x8000, $0x38;
	[tilespmem:$0x10200] =	vst v63  }
.Ltmp0:
0x1b: {  	_ =	swait.ge [sflag:s15], $0x8000;
	(pc) =	sbr.rel @!p0 .LBB2_2-.Ltmp0, $4  }
0x1c: {  	[sflag:s15] =	ssyncset.done $0x0  }
0x1d: {  	s16 =	simm.s32 $0x6;
	[sflag:s15] =	ssyncadd.s32 $0xFFFF8000  }
0x1e: {  	_ =	swait.ge [sflag:s16], $0x8000  }
0x1f: {  	s17 =	sadd.s32 $0xFFFFFFFF, s17;
	[sflag:s16] =	ssyncset.done $0x0  }
.LBB2_1:
0x20: {  	p0 =	sne.s32 s17, $0x1;
	s17 =	sadd.s32 $0xFFFFFFFF, s17;
	[sflag:s16] =	ssyncadd.s32 $0xFFFF8000  }
0x21: {  	[tilespmem:s3], [sflag:$0x1] =	stream.linear.gather [hbm4b:s4+s3], $0x100, $0x38;
	[tilespmem:$0x10200] =	vst v63  }
0x22: {  	_ = 	snop  }
0x23: {  	[tilespmem:s6], [sflag:$0x2] =	stream.linear.gather [hbm4b:s5+s3], $0x100, $0x38;
	[tilespmem:$0x10200] =	vst v63  }
0x24: {  	_ =	swait.ge [sflag:s7], $0x100  }
0x25: {  	[sflag:s7] =	ssyncset.done $0x0  }
0x26: {  	[sflag:s7] =	ssyncadd.s32 $0xFFFFFF00  }
0x27: {  	[tilespmem:s8], [sflag:$0x3] =	stream.indirect.gather [hbm4b:s1+s6], $0x80, s3, s6, $0xb8;
	[tilespmem:$0x10200] =	vst v63  }
0x28: {  	_ =	swait.ge [sflag:s9], $0x100  }
0x29: {  	[sflag:s9] =	ssyncset.done $0x0  }
0x2a: {  	[sflag:s9] =	ssyncadd.s32 $0xFFFFFF00  }
0x2b: {  	[tilespmem:s10], [sflag:$0x4] =	stream.indirect.gather [hbm4b:s1+s6], $0x80, s6, s6, $0xb8;
	[tilespmem:$0x10200] =	vst v63  }
0x2c: {  	_ =	swait.ge [sflag:s11], $0x8000  }
0x2d: {  	[sflag:s11] =	ssyncset.done $0x0  }
0x2e: {  	[sflag:s11] =	ssyncadd.s32 $0xFFFF8000  }
0x2f: {  	[hbm4b:s12+s3] =	stream.linear.scatter [tilespmem:s8], [sflag:$0x5], $0x8000, $0x38;
	[tilespmem:$0x10200] =	vst v63  }
0x30: {  	_ =	swait.ge [sflag:s13], $0x8000  }
0x31: {  	[sflag:s13] =	ssyncset.done $0x0  }
0x32: {  	[sflag:s13] =	ssyncadd.s32 $0xFFFF8000  }
0x33: {  	[hbm4b:s14+s3] =	stream.linear.scatter [tilespmem:s10], [sflag:$0x6], $0x8000, $0x38;
	[tilespmem:$0x10200] =	vst v63  }
.Ltmp1:
0x34: {  	_ =	swait.ge [sflag:s15], $0x8000;
	(pc) =	sbr.rel @p0 .LBB2_1-.Ltmp1, $4  }
0x35: {  	[sflag:s15] =	ssyncset.done $0x0  }
0x36: {  	[sflag:s15] =	ssyncadd.s32 $0xFFFF8000  }
0x37: {  	_ =	swait.ge [sflag:s16], $0x8000  }
0x38: {  	[sflag:s16] =	ssyncset.done $0x0  }
.LBB2_2:
0x39: {  	[sflag:s16] =	ssyncadd.s32 $0xFFFF8000  }
0x3a: {  	_ =	sfence.sel $0x180000  }
0x3b: {  	[bflag:$0x0] =	sbarrier.arrive $0xFFFF  }
0x3c: {  	p0 =	sne.s32 s0, $0x0;
	_ =	strace $0x90000047  }
0x3d: {  	s0 =	sadd.s32 @!p0 $0x100000, s2;
	[bflag:$0x2] =	sbarrier.arrive $0xFFFF  }
0x3e: {  	[sflag:s0] =	ssyncadd.tile.s32 @!p0 $0x1;
	_ =	shalt  }
.Lfunc_end2:
_tile_overlayer_lowered:
.L_overlay_start_2:
0x3f: {  	(tag) =	ssettag $0x2  }
0x40: {  	s0 =	rddreg [dreg:$0x0];
	s2 =	stileid.u32  }
0x41: {  	s1 =	rddreg [dreg:$0x1];
	p0 =	sne.s32 s2, $0x0  }
0x42: {  	s3 =	rddreg [dreg:$0x2];
	[bflag:$0x3] =	sbarrier.arrive $0xFFFF;
	s2 =	simm.s32 @!p0 $0x1C07  }
0x43: {  	[timem:s3], [sflag:s2] =	dma.local @!p0 [hbm:s0], s1  }
0x44: {  	s0 =	simm.s32 @!p0 $0x7  }
0x45: {  	_ =	swait.ge @!p0 [sflag:s0], s1  }
0x46: {  	s1 =	ssub.s32 @!p0 $0x0, s1;
	[sflag:s0] =	ssyncset.done @!p0 $0x0  }
0x47: {  	[sflag:s0] =	ssyncadd.s32 @!p0 s1  }
0x48: {  	[bflag:$0x3] =	sbarrier.arrive $0xFFFF  }
0x49: {  	_ =	shalt  }

</sc_bundles>
